<compile_context>
chip_gen: v7x
topology: tpu7x:2x2x1
jax: 0.10.2.dev20260603
libtpu: 0.0.44.dev20260713+nightly
codegen_flags: <defaults>
</compile_context>

<pallas_src>
import functools

import jax
import jax.numpy as jnp
from jax import lax
from jax.experimental import pallas as pl
from jax.experimental.pallas import tpu as pltpu
from jax.experimental.pallas import tpu_sc as plsc


@functools.cache
def _build(V, D, NW, b_per_w, C, NC):
    n_chunks = b_per_w // C
    assert n_chunks % 2 == 0
    B = NW * b_per_w
    mesh = plsc.VectorSubcoreMesh(core_axis_name="c", subcore_axis_name="s")

    @functools.partial(
        pl.kernel,
        mesh=mesh,
        out_type=jax.ShapeDtypeStruct((B, D), jnp.float32),
        scratch_types=[
            pltpu.VMEM((n_chunks, C), jnp.int32),
            pltpu.VMEM((2, C, D), jnp.float32),
            pltpu.SemaphoreType.DMA,
            pltpu.SemaphoreType.DMA,
            pltpu.SemaphoreType.DMA,
            pltpu.SemaphoreType.DMA,
        ],
    )
    def gather_kernel(table_hbm, idx_hbm, out_hbm,
                      idx_v, rows_v, gsem0, gsem1, osem0, osem1):
        wid = lax.axis_index("s") * NC + lax.axis_index("c")
        base = wid * b_per_w
        pltpu.sync_copy(idx_hbm.at[wid], idx_v)

        gsem = (gsem0, gsem1)
        osem = (osem0, osem1)

        def g_start(c, b):
            pltpu.make_async_copy(table_hbm.at[idx_v.at[c]], rows_v.at[b], gsem[b]).start()

        def g_wait(b):
            pltpu.make_async_copy(table_hbm.at[idx_v.at[0]], rows_v.at[b], gsem[b]).wait()

        def s_start(c, b):
            pltpu.make_async_copy(rows_v.at[b], out_hbm.at[pl.ds(base + c * C, C)], osem[b]).start()

        def s_wait(b):
            pltpu.make_async_copy(rows_v.at[b], out_hbm.at[pl.ds(base, C)], osem[b]).wait()

        g_start(0, 0)
        g_start(1, 1)
        g_wait(0)
        s_start(0, 0)

        def loop_body(g, carry):
            for b in (0, 1):
                c = 2 * g + b
                s_wait(b)
                g_start(c, b)
                g_wait(1 - b)
                s_start(c - 1, 1 - b)
            return carry

        lax.fori_loop(1, n_chunks // 2, loop_body, 0)

        g_wait(1)
        s_start(n_chunks - 1, 1)
        s_wait(0)
        s_wait(1)

    return gather_kernel


def kernel(x, table):
    B0, B1 = x.shape
    V, D = table.shape
    B = B0 * B1
    NC, NS = 2, 16
    NW = NC * NS
    b_per_w = B // NW
    C = 128
    idx = x.reshape(NW, b_per_w // C, C).astype(jnp.int32)
    out = _build(V, D, NW, b_per_w, C, NC)(table, idx)
    return out.reshape(B0, B1, D)

# --- scband reference (transcript-rebuilt; emitter-appended) ---
"""Pipeline reference for scband-simple-tokenizer-9431748182365 (READ-ONLY COPY).

The authoritative reference and input builder live on the scoring server;
editing this copy changes nothing except your own understanding.
"""

import jax, jax.numpy as jnp
import numpy as np

VOCAB = 1000000
DIM = 128

def setup_inputs(seed: int = 0) -> dict:
    key = jax.random.key(seed)
    k1, k2 = jax.random.split(key)
    x = jax.random.randint(k1, (4096, 200), 0, VOCAB, dtype=jnp.int64)
    # nn.Embed default init: normal with stddev 1/sqrt(features)
    table = jax.random.normal(k2, (VOCAB, DIM), dtype=jnp.float32) * (1.0 / np.sqrt(DIM))
    return {"x": x, "table": table}

def reference(x, table):
    # nn.Embed lookup: gather rows of the embedding table
    return jnp.take(table, x, axis=0)

if __name__ == "__main__":
    import jax
    _d = setup_inputs()
    print(jax.jit(kernel)(*tuple(_d.values())))

</pallas_src>

<mosaic_0001>
#map = affine_map<(d0, d1) -> (0, 0)>
#map1 = affine_map<(d0, d1) -> (0, 0, 0)>
module attributes {stable_mosaic.version = 14 : i64} {
  func.func @gather_kernel(%arg0: i32, %arg1: i32, %arg2: memref<1000000x128xf32, #tpu.memory_space<hbm>>, %arg3: memref<32x200x128xi32, #tpu.memory_space<hbm>>, %arg4: memref<819200x128xf32, #tpu.memory_space<hbm>>, %arg5: memref<200x128xi32, #tpu.memory_space<vmem>>, %arg6: memref<2x128x128xf32, #tpu.memory_space<vmem>>, %arg7: memref<!tpu.dma_semaphore, #tpu.memory_space<semaphore_mem>>, %arg8: memref<!tpu.dma_semaphore, #tpu.memory_space<semaphore_mem>>, %arg9: memref<!tpu.dma_semaphore, #tpu.memory_space<semaphore_mem>>, %arg10: memref<!tpu.dma_semaphore, #tpu.memory_space<semaphore_mem>>) attributes {dimension_semantics = [#tpu.dimension_semantics<core_parallel>, #tpu.dimension_semantics<subcore_parallel>], iteration_bounds = array<i64: 2, 16>, scalar_prefetch = 0 : i64, scratch_operands = 6 : i64, tpu.core_type = #tpu.core_type<sc_vector_subcore>, window_params = [{transform_indices = #map}, {transform_indices = #map1}, {transform_indices = #map}]} {
    %mul3A = arith.constant 2 : i32
    %mul3A_0 = arith.muli %arg1, %mul3A : i32
    %add3A = arith.addi %mul3A_0, %arg0 : i32
    %mul3A_1 = arith.constant 25600 : i32
    %mul3A_2 = arith.muli %add3A, %mul3A_1 : i32
    "tpu.region"() ({
      %run_scoped3A = tpu.sem_alloc : memref<!tpu.dma_semaphore, #tpu.memory_space<semaphore_mem>>
      %dma_start3A_110 = arith.constant 0 : i32
      %dma_start3A_111 = arith.constant 0 : i32
      %dma_start3A_112 = tpu.memref_slice %arg3[%add3A, %dma_start3A_110, %dma_start3A_111] : memref<32x200x128xi32, #tpu.memory_space<hbm>> -> memref<1x200x128xi32, #tpu.memory_space<hbm>>
      %dma_start3A_113 = tpu.memref_squeeze %dma_start3A_112 : memref<1x200x128xi32, #tpu.memory_space<hbm>> -> memref<200x128xi32, #tpu.memory_space<hbm>>
      %dma_start3A_114 = arith.constant 0 : i32
      %dma_start3A_115 = arith.constant 0 : i32
      %dma_start3A_116 = tpu.memref_slice %arg3[%add3A, %dma_start3A_114, %dma_start3A_115] : memref<32x200x128xi32, #tpu.memory_space<hbm>> -> memref<1x200x128xi32, #tpu.memory_space<hbm>>
      %dma_start3A_117 = tpu.memref_squeeze %dma_start3A_116 : memref<1x200x128xi32, #tpu.memory_space<hbm>> -> memref<200x128xi32, #tpu.memory_space<hbm>>
      tpu.enqueue_dma source(%dma_start3A_117 : memref<200x128xi32, #tpu.memory_space<hbm>>) target(%arg5 : memref<200x128xi32, #tpu.memory_space<vmem>>) target_semaphore(%run_scoped3A : memref<!tpu.dma_semaphore, #tpu.memory_space<semaphore_mem>>)
      %dma_wait3A_118 = arith.constant 0 : i32
      %dma_wait3A_119 = arith.constant 0 : i32
      %dma_wait3A_120 = tpu.memref_slice %arg3[%add3A, %dma_wait3A_118, %dma_wait3A_119] : memref<32x200x128xi32, #tpu.memory_space<hbm>> -> memref<1x200x128xi32, #tpu.memory_space<hbm>>
      %dma_wait3A_121 = tpu.memref_squeeze %dma_wait3A_120 : memref<1x200x128xi32, #tpu.memory_space<hbm>> -> memref<200x128xi32, #tpu.memory_space<hbm>>
      %dma_wait3A_122 = arith.constant 0 : i32
      %dma_wait3A_123 = arith.constant 0 : i32
      %dma_wait3A_124 = tpu.memref_slice %arg3[%add3A, %dma_wait3A_122, %dma_wait3A_123] : memref<32x200x128xi32, #tpu.memory_space<hbm>> -> memref<1x200x128xi32, #tpu.memory_space<hbm>>
      %dma_wait3A_125 = tpu.memref_squeeze %dma_wait3A_124 : memref<1x200x128xi32, #tpu.memory_space<hbm>> -> memref<200x128xi32, #tpu.memory_space<hbm>>
      tpu.wait_dma2 semaphore(%run_scoped3A : memref<!tpu.dma_semaphore, #tpu.memory_space<semaphore_mem>>) src(%dma_wait3A_125 : memref<200x128xi32, #tpu.memory_space<hbm>>) dst(%arg5 : memref<200x128xi32, #tpu.memory_space<vmem>>)
      tpu.yield
    }) : () -> ()
    %dma_start3A = arith.constant 0 : i32
    %dma_start3A_3 = arith.constant 0 : i32
    %dma_start3A_4 = arith.constant 0 : i32
    %dma_start3A_5 = arith.constant 0 : i32
    %dma_start3A_6 = tpu.memref_slice %arg6[%dma_start3A_3, %dma_start3A_4, %dma_start3A_5] : memref<2x128x128xf32, #tpu.memory_space<vmem>> -> memref<1x128x128xf32, #tpu.memory_space<vmem>>
    %dma_start3A_7 = tpu.memref_squeeze %dma_start3A_6 : memref<1x128x128xf32, #tpu.memory_space<vmem>> -> memref<128x128xf32, #tpu.memory_space<vmem>>
    %dma_start3A_8 = arith.constant 0 : i32
    %dma_start3A_9 = tpu.memref_slice %arg5[%dma_start3A, %dma_start3A_8] : memref<200x128xi32, #tpu.memory_space<vmem>> -> memref<1x128xi32, #tpu.memory_space<vmem>>
    %dma_start3A_10 = tpu.memref_squeeze %dma_start3A_9 : memref<1x128xi32, #tpu.memory_space<vmem>> -> memref<128xi32, #tpu.memory_space<vmem>>
    %dma_start3A_11 = arith.constant 0 : i32
    %dma_start3A_12 = arith.constant 0 : i32
    %dma_start3A_13 = tpu.memref_slice %arg2[%dma_start3A_11, %dma_start3A_12] : memref<1000000x128xf32, #tpu.memory_space<hbm>> -> memref<1000000x128xf32, #tpu.memory_space<hbm>>
    tpu.enqueue_indirect_dma source(%dma_start3A_13 : memref<1000000x128xf32, #tpu.memory_space<hbm>>) target(%dma_start3A_7 : memref<128x128xf32, #tpu.memory_space<vmem>>) offsets(%dma_start3A_10 : memref<128xi32, #tpu.memory_space<vmem>>) semaphore(%arg7 : memref<!tpu.dma_semaphore, #tpu.memory_space<semaphore_mem>>)
    %dma_start3A_14 = arith.constant 1 : i32
    %dma_start3A_15 = arith.constant 1 : i32
    %dma_start3A_16 = arith.constant 0 : i32
    %dma_start3A_17 = arith.constant 0 : i32
    %dma_start3A_18 = tpu.memref_slice %arg6[%dma_start3A_15, %dma_start3A_16, %dma_start3A_17] : memref<2x128x128xf32, #tpu.memory_space<vmem>> -> memref<1x128x128xf32, #tpu.memory_space<vmem>>
    %dma_start3A_19 = tpu.memref_squeeze %dma_start3A_18 : memref<1x128x128xf32, #tpu.memory_space<vmem>> -> memref<128x128xf32, #tpu.memory_space<vmem>>
    %dma_start3A_20 = arith.constant 0 : i32
    %dma_start3A_21 = tpu.memref_slice %arg5[%dma_start3A_14, %dma_start3A_20] : memref<200x128xi32, #tpu.memory_space<vmem>> -> memref<1x128xi32, #tpu.memory_space<vmem>>
    %dma_start3A_22 = tpu.memref_squeeze %dma_start3A_21 : memref<1x128xi32, #tpu.memory_space<vmem>> -> memref<128xi32, #tpu.memory_space<vmem>>
    %dma_start3A_23 = arith.constant 0 : i32
    %dma_start3A_24 = arith.constant 0 : i32
    %dma_start3A_25 = tpu.memref_slice %arg2[%dma_start3A_23, %dma_start3A_24] : memref<1000000x128xf32, #tpu.memory_space<hbm>> -> memref<1000000x128xf32, #tpu.memory_space<hbm>>
    tpu.enqueue_indirect_dma source(%dma_start3A_25 : memref<1000000x128xf32, #tpu.memory_space<hbm>>) target(%dma_start3A_19 : memref<128x128xf32, #tpu.memory_space<vmem>>) offsets(%dma_start3A_22 : memref<128xi32, #tpu.memory_space<vmem>>) semaphore(%arg8 : memref<!tpu.dma_semaphore, #tpu.memory_space<semaphore_mem>>)
    %dma_wait3A = arith.constant 0 : i32
    %dma_wait3A_26 = arith.constant 0 : i32
    %dma_wait3A_27 = arith.constant 0 : i32
    %dma_wait3A_28 = arith.constant 0 : i32
    %dma_wait3A_29 = tpu.memref_slice %arg6[%dma_wait3A_26, %dma_wait3A_27, %dma_wait3A_28] : memref<2x128x128xf32, #tpu.memory_space<vmem>> -> memref<1x128x128xf32, #tpu.memory_space<vmem>>
    %dma_wait3A_30 = tpu.memref_squeeze %dma_wait3A_29 : memref<1x128x128xf32, #tpu.memory_space<vmem>> -> memref<128x128xf32, #tpu.memory_space<vmem>>
    %dma_wait3A_31 = arith.constant 0 : i32
    %dma_wait3A_32 = tpu.memref_slice %arg5[%dma_wait3A, %dma_wait3A_31] : memref<200x128xi32, #tpu.memory_space<vmem>> -> memref<1x128xi32, #tpu.memory_space<vmem>>
    %dma_wait3A_33 = tpu.memref_squeeze %dma_wait3A_32 : memref<1x128xi32, #tpu.memory_space<vmem>> -> memref<128xi32, #tpu.memory_space<vmem>>
    %dma_wait3A_34 = arith.constant 0 : i32
    %dma_wait3A_35 = arith.constant 0 : i32
    %dma_wait3A_36 = tpu.memref_slice %arg2[%dma_wait3A_34, %dma_wait3A_35] : memref<1000000x128xf32, #tpu.memory_space<hbm>> -> memref<1000000x128xf32, #tpu.memory_space<hbm>>
    tpu.wait_indirect_dma semaphore(%arg7 : memref<!tpu.dma_semaphore, #tpu.memory_space<semaphore_mem>>) src(%dma_wait3A_36 : memref<1000000x128xf32, #tpu.memory_space<hbm>>) dst(%dma_wait3A_30 : memref<128x128xf32, #tpu.memory_space<vmem>>)
    %add3A_37 = arith.constant 0 : i32
    %add3A_38 = arith.addi %mul3A_2, %add3A_37 : i32
    %dma_start3A_39 = arith.constant 0 : i32
    %dma_start3A_40 = arith.constant 0 : i32
    %dma_start3A_41 = arith.constant 0 : i32
    %dma_start3A_42 = tpu.memref_slice %arg6[%dma_start3A_39, %dma_start3A_40, %dma_start3A_41] : memref<2x128x128xf32, #tpu.memory_space<vmem>> -> memref<1x128x128xf32, #tpu.memory_space<vmem>>
    %dma_start3A_43 = tpu.memref_squeeze %dma_start3A_42 : memref<1x128x128xf32, #tpu.memory_space<vmem>> -> memref<128x128xf32, #tpu.memory_space<vmem>>
    %dma_start3A_44 = arith.constant 0 : i32
    %dma_start3A_45 = tpu.memref_slice %arg4[%add3A_38, %dma_start3A_44] : memref<819200x128xf32, #tpu.memory_space<hbm>> -> memref<128x128xf32, #tpu.memory_space<hbm>>
    %dma_start3A_46 = arith.constant 0 : i32
    %dma_start3A_47 = tpu.memref_slice %arg4[%add3A_38, %dma_start3A_46] : memref<819200x128xf32, #tpu.memory_space<hbm>> -> memref<128x128xf32, #tpu.memory_space<hbm>>
    %dma_start3A_48 = arith.constant 0 : i32
    %dma_start3A_49 = arith.constant 0 : i32
    %dma_start3A_50 = tpu.memref_slice %arg6[%dma_start3A_39, %dma_start3A_48, %dma_start3A_49] : memref<2x128x128xf32, #tpu.memory_space<vmem>> -> memref<1x128x128xf32, #tpu.memory_space<vmem>>
    %dma_start3A_51 = tpu.memref_squeeze %dma_start3A_50 : memref<1x128x128xf32, #tpu.memory_space<vmem>> -> memref<128x128xf32, #tpu.memory_space<vmem>>
    tpu.enqueue_dma source(%dma_start3A_51 : memref<128x128xf32, #tpu.memory_space<vmem>>) target(%dma_start3A_47 : memref<128x128xf32, #tpu.memory_space<hbm>>) target_semaphore(%arg9 : memref<!tpu.dma_semaphore, #tpu.memory_space<semaphore_mem>>)
    %scan3A = arith.constant 0 : i32
    %scan3A_52 = arith.constant 1 : i32
    %scan3A_53 = arith.constant 99 : i32
    %scan3A_54 = arith.addi %scan3A_52, %scan3A_53 : i32
    %scan3A_55 = arith.constant 1 : i32
    scf.for %scan3A_110 = %scan3A_52 to %scan3A_54 step %scan3A_55  : i32 {
      %mul3A_111 = arith.constant 2 : i32
      %mul3A_112 = arith.muli %mul3A_111, %scan3A_110 : i32
      %add3A_113 = arith.constant 0 : i32
      %add3A_114 = arith.addi %mul3A_112, %add3A_113 : i32
      %dma_wait3A_115 = arith.constant 0 : i32
      %dma_wait3A_116 = arith.constant 0 : i32
      %dma_wait3A_117 = arith.constant 0 : i32
      %dma_wait3A_118 = tpu.memref_slice %arg6[%dma_wait3A_115, %dma_wait3A_116, %dma_wait3A_117] : memref<2x128x128xf32, #tpu.memory_space<vmem>> -> memref<1x128x128xf32, #tpu.memory_space<vmem>>
      %dma_wait3A_119 = tpu.memref_squeeze %dma_wait3A_118 : memref<1x128x128xf32, #tpu.memory_space<vmem>> -> memref<128x128xf32, #tpu.memory_space<vmem>>
      %dma_wait3A_120 = arith.constant 0 : i32
      %dma_wait3A_121 = tpu.memref_slice %arg4[%mul3A_2, %dma_wait3A_120] : memref<819200x128xf32, #tpu.memory_space<hbm>> -> memref<128x128xf32, #tpu.memory_space<hbm>>
      %dma_wait3A_122 = arith.constant 0 : i32
      %dma_wait3A_123 = tpu.memref_slice %arg4[%mul3A_2, %dma_wait3A_122] : memref<819200x128xf32, #tpu.memory_space<hbm>> -> memref<128x128xf32, #tpu.memory_space<hbm>>
      %dma_wait3A_124 = arith.constant 0 : i32
      %dma_wait3A_125 = arith.constant 0 : i32
      %dma_wait3A_126 = tpu.memref_slice %arg6[%dma_wait3A_115, %dma_wait3A_124, %dma_wait3A_125] : memref<2x128x128xf32, #tpu.memory_space<vmem>> -> memref<1x128x128xf32, #tpu.memory_space<vmem>>
      %dma_wait3A_127 = tpu.memref_squeeze %dma_wait3A_126 : memref<1x128x128xf32, #tpu.memory_space<vmem>> -> memref<128x128xf32, #tpu.memory_space<vmem>>
      tpu.wait_dma2 semaphore(%arg9 : memref<!tpu.dma_semaphore, #tpu.memory_space<semaphore_mem>>) src(%dma_wait3A_127 : memref<128x128xf32, #tpu.memory_space<vmem>>) dst(%dma_wait3A_123 : memref<128x128xf32, #tpu.memory_space<hbm>>)
      %dma_start3A_128 = arith.constant 0 : i32
      %dma_start3A_129 = arith.constant 0 : i32
      %dma_start3A_130 = arith.constant 0 : i32
      %dma_start3A_131 = tpu.memref_slice %arg6[%dma_start3A_128, %dma_start3A_129, %dma_start3A_130] : memref<2x128x128xf32, #tpu.memory_space<vmem>> -> memref<1x128x128xf32, #tpu.memory_space<vmem>>
      %dma_start3A_132 = tpu.memref_squeeze %dma_start3A_131 : memref<1x128x128xf32, #tpu.memory_space<vmem>> -> memref<128x128xf32, #tpu.memory_space<vmem>>
      %dma_start3A_133 = arith.constant 0 : i32
      %dma_start3A_134 = tpu.memref_slice %arg5[%add3A_114, %dma_start3A_133] : memref<200x128xi32, #tpu.memory_space<vmem>> -> memref<1x128xi32, #tpu.memory_space<vmem>>
      %dma_start3A_135 = tpu.memref_squeeze %dma_start3A_134 : memref<1x128xi32, #tpu.memory_space<vmem>> -> memref<128xi32, #tpu.memory_space<vmem>>
      %dma_start3A_136 = arith.constant 0 : i32
      %dma_start3A_137 = arith.constant 0 : i32
      %dma_start3A_138 = tpu.memref_slice %arg2[%dma_start3A_136, %dma_start3A_137] : memref<1000000x128xf32, #tpu.memory_space<hbm>> -> memref<1000000x128xf32, #tpu.memory_space<hbm>>
      tpu.enqueue_indirect_dma source(%dma_start3A_138 : memref<1000000x128xf32, #tpu.memory_space<hbm>>) target(%dma_start3A_132 : memref<128x128xf32, #tpu.memory_space<vmem>>) offsets(%dma_start3A_135 : memref<128xi32, #tpu.memory_space<vmem>>) semaphore(%arg7 : memref<!tpu.dma_semaphore, #tpu.memory_space<semaphore_mem>>)
      %dma_wait3A_139 = arith.constant 0 : i32
      %dma_wait3A_140 = arith.constant 1 : i32
      %dma_wait3A_141 = arith.constant 0 : i32
      %dma_wait3A_142 = arith.constant 0 : i32
      %dma_wait3A_143 = tpu.memref_slice %arg6[%dma_wait3A_140, %dma_wait3A_141, %dma_wait3A_142] : memref<2x128x128xf32, #tpu.memory_space<vmem>> -> memref<1x128x128xf32, #tpu.memory_space<vmem>>
      %dma_wait3A_144 = tpu.memref_squeeze %dma_wait3A_143 : memref<1x128x128xf32, #tpu.memory_space<vmem>> -> memref<128x128xf32, #tpu.memory_space<vmem>>
      %dma_wait3A_145 = arith.constant 0 : i32
      %dma_wait3A_146 = tpu.memref_slice %arg5[%dma_wait3A_139, %dma_wait3A_145] : memref<200x128xi32, #tpu.memory_space<vmem>> -> memref<1x128xi32, #tpu.memory_space<vmem>>
      %dma_wait3A_147 = tpu.memref_squeeze %dma_wait3A_146 : memref<1x128xi32, #tpu.memory_space<vmem>> -> memref<128xi32, #tpu.memory_space<vmem>>
      %dma_wait3A_148 = arith.constant 0 : i32
      %dma_wait3A_149 = arith.constant 0 : i32
      %dma_wait3A_150 = tpu.memref_slice %arg2[%dma_wait3A_148, %dma_wait3A_149] : memref<1000000x128xf32, #tpu.memory_space<hbm>> -> memref<1000000x128xf32, #tpu.memory_space<hbm>>
      tpu.wait_indirect_dma semaphore(%arg8 : memref<!tpu.dma_semaphore, #tpu.memory_space<semaphore_mem>>) src(%dma_wait3A_150 : memref<1000000x128xf32, #tpu.memory_space<hbm>>) dst(%dma_wait3A_144 : memref<128x128xf32, #tpu.memory_space<vmem>>)
      %sub3A = arith.constant 1 : i32
      %sub3A_151 = arith.subi %add3A_114, %sub3A : i32
      %mul3A_152 = arith.constant 128 : i32
      %mul3A_153 = arith.muli %sub3A_151, %mul3A_152 : i32
      %add3A_154 = arith.addi %mul3A_2, %mul3A_153 : i32
      %dma_start3A_155 = arith.constant 1 : i32
      %dma_start3A_156 = arith.constant 0 : i32
      %dma_start3A_157 = arith.constant 0 : i32
      %dma_start3A_158 = tpu.memref_slice %arg6[%dma_start3A_155, %dma_start3A_156, %dma_start3A_157] : memref<2x128x128xf32, #tpu.memory_space<vmem>> -> memref<1x128x128xf32, #tpu.memory_space<vmem>>
      %dma_start3A_159 = tpu.memref_squeeze %dma_start3A_158 : memref<1x128x128xf32, #tpu.memory_space<vmem>> -> memref<128x128xf32, #tpu.memory_space<vmem>>
      %dma_start3A_160 = arith.constant 0 : i32
      %dma_start3A_161 = tpu.memref_slice %arg4[%add3A_154, %dma_start3A_160] : memref<819200x128xf32, #tpu.memory_space<hbm>> -> memref<128x128xf32, #tpu.memory_space<hbm>>
      %dma_start3A_162 = arith.constant 0 : i32
      %dma_start3A_163 = tpu.memref_slice %arg4[%add3A_154, %dma_start3A_162] : memref<819200x128xf32, #tpu.memory_space<hbm>> -> memref<128x128xf32, #tpu.memory_space<hbm>>
      %dma_start3A_164 = arith.constant 0 : i32
      %dma_start3A_165 = arith.constant 0 : i32
      %dma_start3A_166 = tpu.memref_slice %arg6[%dma_start3A_155, %dma_start3A_164, %dma_start3A_165] : memref<2x128x128xf32, #tpu.memory_space<vmem>> -> memref<1x128x128xf32, #tpu.memory_space<vmem>>
      %dma_start3A_167 = tpu.memref_squeeze %dma_start3A_166 : memref<1x128x128xf32, #tpu.memory_space<vmem>> -> memref<128x128xf32, #tpu.memory_space<vmem>>
      tpu.enqueue_dma source(%dma_start3A_167 : memref<128x128xf32, #tpu.memory_space<vmem>>) target(%dma_start3A_163 : memref<128x128xf32, #tpu.memory_space<hbm>>) target_semaphore(%arg10 : memref<!tpu.dma_semaphore, #tpu.memory_space<semaphore_mem>>)
      %mul3A_168 = arith.constant 2 : i32
      %mul3A_169 = arith.muli %mul3A_168, %scan3A_110 : i32
      %add3A_170 = arith.constant 1 : i32
      %add3A_171 = arith.addi %mul3A_169, %add3A_170 : i32
      %dma_wait3A_172 = arith.constant 1 : i32
      %dma_wait3A_173 = arith.constant 0 : i32
      %dma_wait3A_174 = arith.constant 0 : i32
      %dma_wait3A_175 = tpu.memref_slice %arg6[%dma_wait3A_172, %dma_wait3A_173, %dma_wait3A_174] : memref<2x128x128xf32, #tpu.memory_space<vmem>> -> memref<1x128x128xf32, #tpu.memory_space<vmem>>
      %dma_wait3A_176 = tpu.memref_squeeze %dma_wait3A_175 : memref<1x128x128xf32, #tpu.memory_space<vmem>> -> memref<128x128xf32, #tpu.memory_space<vmem>>
      %dma_wait3A_177 = arith.constant 0 : i32
      %dma_wait3A_178 = tpu.memref_slice %arg4[%mul3A_2, %dma_wait3A_177] : memref<819200x128xf32, #tpu.memory_space<hbm>> -> memref<128x128xf32, #tpu.memory_space<hbm>>
      %dma_wait3A_179 = arith.constant 0 : i32
      %dma_wait3A_180 = tpu.memref_slice %arg4[%mul3A_2, %dma_wait3A_179] : memref<819200x128xf32, #tpu.memory_space<hbm>> -> memref<128x128xf32, #tpu.memory_space<hbm>>
      %dma_wait3A_181 = arith.constant 0 : i32
      %dma_wait3A_182 = arith.constant 0 : i32
      %dma_wait3A_183 = tpu.memref_slice %arg6[%dma_wait3A_172, %dma_wait3A_181, %dma_wait3A_182] : memref<2x128x128xf32, #tpu.memory_space<vmem>> -> memref<1x128x128xf32, #tpu.memory_space<vmem>>
      %dma_wait3A_184 = tpu.memref_squeeze %dma_wait3A_183 : memref<1x128x128xf32, #tpu.memory_space<vmem>> -> memref<128x128xf32, #tpu.memory_space<vmem>>
      tpu.wait_dma2 semaphore(%arg10 : memref<!tpu.dma_semaphore, #tpu.memory_space<semaphore_mem>>) src(%dma_wait3A_184 : memref<128x128xf32, #tpu.memory_space<vmem>>) dst(%dma_wait3A_180 : memref<128x128xf32, #tpu.memory_space<hbm>>)
      %dma_start3A_185 = arith.constant 1 : i32
      %dma_start3A_186 = arith.constant 0 : i32
      %dma_start3A_187 = arith.constant 0 : i32
      %dma_start3A_188 = tpu.memref_slice %arg6[%dma_start3A_185, %dma_start3A_186, %dma_start3A_187] : memref<2x128x128xf32, #tpu.memory_space<vmem>> -> memref<1x128x128xf32, #tpu.memory_space<vmem>>
      %dma_start3A_189 = tpu.memref_squeeze %dma_start3A_188 : memref<1x128x128xf32, #tpu.memory_space<vmem>> -> memref<128x128xf32, #tpu.memory_space<vmem>>
      %dma_start3A_190 = arith.constant 0 : i32
      %dma_start3A_191 = tpu.memref_slice %arg5[%add3A_171, %dma_start3A_190] : memref<200x128xi32, #tpu.memory_space<vmem>> -> memref<1x128xi32, #tpu.memory_space<vmem>>
      %dma_start3A_192 = tpu.memref_squeeze %dma_start3A_191 : memref<1x128xi32, #tpu.memory_space<vmem>> -> memref<128xi32, #tpu.memory_space<vmem>>
      %dma_start3A_193 = arith.constant 0 : i32
      %dma_start3A_194 = arith.constant 0 : i32
      %dma_start3A_195 = tpu.memref_slice %arg2[%dma_start3A_193, %dma_start3A_194] : memref<1000000x128xf32, #tpu.memory_space<hbm>> -> memref<1000000x128xf32, #tpu.memory_space<hbm>>
      tpu.enqueue_indirect_dma source(%dma_start3A_195 : memref<1000000x128xf32, #tpu.memory_space<hbm>>) target(%dma_start3A_189 : memref<128x128xf32, #tpu.memory_space<vmem>>) offsets(%dma_start3A_192 : memref<128xi32, #tpu.memory_space<vmem>>) semaphore(%arg8 : memref<!tpu.dma_semaphore, #tpu.memory_space<semaphore_mem>>)
      %dma_wait3A_196 = arith.constant 0 : i32
      %dma_wait3A_197 = arith.constant 0 : i32
      %dma_wait3A_198 = arith.constant 0 : i32
      %dma_wait3A_199 = arith.constant 0 : i32
      %dma_wait3A_200 = tpu.memref_slice %arg6[%dma_wait3A_197, %dma_wait3A_198, %dma_wait3A_199] : memref<2x128x128xf32, #tpu.memory_space<vmem>> -> memref<1x128x128xf32, #tpu.memory_space<vmem>>
      %dma_wait3A_201 = tpu.memref_squeeze %dma_wait3A_200 : memref<1x128x128xf32, #tpu.memory_space<vmem>> -> memref<128x128xf32, #tpu.memory_space<vmem>>
      %dma_wait3A_202 = arith.constant 0 : i32
      %dma_wait3A_203 = tpu.memref_slice %arg5[%dma_wait3A_196, %dma_wait3A_202] : memref<200x128xi32, #tpu.memory_space<vmem>> -> memref<1x128xi32, #tpu.memory_space<vmem>>
      %dma_wait3A_204 = tpu.memref_squeeze %dma_wait3A_203 : memref<1x128xi32, #tpu.memory_space<vmem>> -> memref<128xi32, #tpu.memory_space<vmem>>
      %dma_wait3A_205 = arith.constant 0 : i32
      %dma_wait3A_206 = arith.constant 0 : i32
      %dma_wait3A_207 = tpu.memref_slice %arg2[%dma_wait3A_205, %dma_wait3A_206] : memref<1000000x128xf32, #tpu.memory_space<hbm>> -> memref<1000000x128xf32, #tpu.memory_space<hbm>>
      tpu.wait_indirect_dma semaphore(%arg7 : memref<!tpu.dma_semaphore, #tpu.memory_space<semaphore_mem>>) src(%dma_wait3A_207 : memref<1000000x128xf32, #tpu.memory_space<hbm>>) dst(%dma_wait3A_201 : memref<128x128xf32, #tpu.memory_space<vmem>>)
      %sub3A_208 = arith.constant 1 : i32
      %sub3A_209 = arith.subi %add3A_171, %sub3A_208 : i32
      %mul3A_210 = arith.constant 128 : i32
      %mul3A_211 = arith.muli %sub3A_209, %mul3A_210 : i32
      %add3A_212 = arith.addi %mul3A_2, %mul3A_211 : i32
      %dma_start3A_213 = arith.constant 0 : i32
      %dma_start3A_214 = arith.constant 0 : i32
      %dma_start3A_215 = arith.constant 0 : i32
      %dma_start3A_216 = tpu.memref_slice %arg6[%dma_start3A_213, %dma_start3A_214, %dma_start3A_215] : memref<2x128x128xf32, #tpu.memory_space<vmem>> -> memref<1x128x128xf32, #tpu.memory_space<vmem>>
      %dma_start3A_217 = tpu.memref_squeeze %dma_start3A_216 : memref<1x128x128xf32, #tpu.memory_space<vmem>> -> memref<128x128xf32, #tpu.memory_space<vmem>>
      %dma_start3A_218 = arith.constant 0 : i32
      %dma_start3A_219 = tpu.memref_slice %arg4[%add3A_212, %dma_start3A_218] : memref<819200x128xf32, #tpu.memory_space<hbm>> -> memref<128x128xf32, #tpu.memory_space<hbm>>
      %dma_start3A_220 = arith.constant 0 : i32
      %dma_start3A_221 = tpu.memref_slice %arg4[%add3A_212, %dma_start3A_220] : memref<819200x128xf32, #tpu.memory_space<hbm>> -> memref<128x128xf32, #tpu.memory_space<hbm>>
      %dma_start3A_222 = arith.constant 0 : i32
      %dma_start3A_223 = arith.constant 0 : i32
      %dma_start3A_224 = tpu.memref_slice %arg6[%dma_start3A_213, %dma_start3A_222, %dma_start3A_223] : memref<2x128x128xf32, #tpu.memory_space<vmem>> -> memref<1x128x128xf32, #tpu.memory_space<vmem>>
      %dma_start3A_225 = tpu.memref_squeeze %dma_start3A_224 : memref<1x128x128xf32, #tpu.memory_space<vmem>> -> memref<128x128xf32, #tpu.memory_space<vmem>>
      tpu.enqueue_dma source(%dma_start3A_225 : memref<128x128xf32, #tpu.memory_space<vmem>>) target(%dma_start3A_221 : memref<128x128xf32, #tpu.memory_space<hbm>>) target_semaphore(%arg9 : memref<!tpu.dma_semaphore, #tpu.memory_space<semaphore_mem>>)
    }
    %scan3A_56 = arith.constant 99 : i32
    %dma_wait3A_57 = arith.constant 0 : i32
    %dma_wait3A_58 = arith.constant 1 : i32
    %dma_wait3A_59 = arith.constant 0 : i32
    %dma_wait3A_60 = arith.constant 0 : i32
    %dma_wait3A_61 = tpu.memref_slice %arg6[%dma_wait3A_58, %dma_wait3A_59, %dma_wait3A_60] : memref<2x128x128xf32, #tpu.memory_space<vmem>> -> memref<1x128x128xf32, #tpu.memory_space<vmem>>
    %dma_wait3A_62 = tpu.memref_squeeze %dma_wait3A_61 : memref<1x128x128xf32, #tpu.memory_space<vmem>> -> memref<128x128xf32, #tpu.memory_space<vmem>>
    %dma_wait3A_63 = arith.constant 0 : i32
    %dma_wait3A_64 = tpu.memref_slice %arg5[%dma_wait3A_57, %dma_wait3A_63] : memref<200x128xi32, #tpu.memory_space<vmem>> -> memref<1x128xi32, #tpu.memory_space<vmem>>
    %dma_wait3A_65 = tpu.memref_squeeze %dma_wait3A_64 : memref<1x128xi32, #tpu.memory_space<vmem>> -> memref<128xi32, #tpu.memory_space<vmem>>
    %dma_wait3A_66 = arith.constant 0 : i32
    %dma_wait3A_67 = arith.constant 0 : i32
    %dma_wait3A_68 = tpu.memref_slice %arg2[%dma_wait3A_66, %dma_wait3A_67] : memref<1000000x128xf32, #tpu.memory_space<hbm>> -> memref<1000000x128xf32, #tpu.memory_space<hbm>>
    tpu.wait_indirect_dma semaphore(%arg8 : memref<!tpu.dma_semaphore, #tpu.memory_space<semaphore_mem>>) src(%dma_wait3A_68 : memref<1000000x128xf32, #tpu.memory_space<hbm>>) dst(%dma_wait3A_62 : memref<128x128xf32, #tpu.memory_space<vmem>>)
    %add3A_69 = arith.constant 25472 : i32
    %add3A_70 = arith.addi %mul3A_2, %add3A_69 : i32
    %dma_start3A_71 = arith.constant 1 : i32
    %dma_start3A_72 = arith.constant 0 : i32
    %dma_start3A_73 = arith.constant 0 : i32
    %dma_start3A_74 = tpu.memref_slice %arg6[%dma_start3A_71, %dma_start3A_72, %dma_start3A_73] : memref<2x128x128xf32, #tpu.memory_space<vmem>> -> memref<1x128x128xf32, #tpu.memory_space<vmem>>
    %dma_start3A_75 = tpu.memref_squeeze %dma_start3A_74 : memref<1x128x128xf32, #tpu.memory_space<vmem>> -> memref<128x128xf32, #tpu.memory_space<vmem>>
    %dma_start3A_76 = arith.constant 0 : i32
    %dma_start3A_77 = tpu.memref_slice %arg4[%add3A_70, %dma_start3A_76] : memref<819200x128xf32, #tpu.memory_space<hbm>> -> memref<128x128xf32, #tpu.memory_space<hbm>>
    %dma_start3A_78 = arith.constant 0 : i32
    %dma_start3A_79 = tpu.memref_slice %arg4[%add3A_70, %dma_start3A_78] : memref<819200x128xf32, #tpu.memory_space<hbm>> -> memref<128x128xf32, #tpu.memory_space<hbm>>
    %dma_start3A_80 = arith.constant 0 : i32
    %dma_start3A_81 = arith.constant 0 : i32
    %dma_start3A_82 = tpu.memref_slice %arg6[%dma_start3A_71, %dma_start3A_80, %dma_start3A_81] : memref<2x128x128xf32, #tpu.memory_space<vmem>> -> memref<1x128x128xf32, #tpu.memory_space<vmem>>
    %dma_start3A_83 = tpu.memref_squeeze %dma_start3A_82 : memref<1x128x128xf32, #tpu.memory_space<vmem>> -> memref<128x128xf32, #tpu.memory_space<vmem>>
    tpu.enqueue_dma source(%dma_start3A_83 : memref<128x128xf32, #tpu.memory_space<vmem>>) target(%dma_start3A_79 : memref<128x128xf32, #tpu.memory_space<hbm>>) target_semaphore(%arg10 : memref<!tpu.dma_semaphore, #tpu.memory_space<semaphore_mem>>)
    %dma_wait3A_84 = arith.constant 0 : i32
    %dma_wait3A_85 = arith.constant 0 : i32
    %dma_wait3A_86 = arith.constant 0 : i32
    %dma_wait3A_87 = tpu.memref_slice %arg6[%dma_wait3A_84, %dma_wait3A_85, %dma_wait3A_86] : memref<2x128x128xf32, #tpu.memory_space<vmem>> -> memref<1x128x128xf32, #tpu.memory_space<vmem>>
    %dma_wait3A_88 = tpu.memref_squeeze %dma_wait3A_87 : memref<1x128x128xf32, #tpu.memory_space<vmem>> -> memref<128x128xf32, #tpu.memory_space<vmem>>
    %dma_wait3A_89 = arith.constant 0 : i32
    %dma_wait3A_90 = tpu.memref_slice %arg4[%mul3A_2, %dma_wait3A_89] : memref<819200x128xf32, #tpu.memory_space<hbm>> -> memref<128x128xf32, #tpu.memory_space<hbm>>
    %dma_wait3A_91 = arith.constant 0 : i32
    %dma_wait3A_92 = tpu.memref_slice %arg4[%mul3A_2, %dma_wait3A_91] : memref<819200x128xf32, #tpu.memory_space<hbm>> -> memref<128x128xf32, #tpu.memory_space<hbm>>
    %dma_wait3A_93 = arith.constant 0 : i32
    %dma_wait3A_94 = arith.constant 0 : i32
    %dma_wait3A_95 = tpu.memref_slice %arg6[%dma_wait3A_84, %dma_wait3A_93, %dma_wait3A_94] : memref<2x128x128xf32, #tpu.memory_space<vmem>> -> memref<1x128x128xf32, #tpu.memory_space<vmem>>
    %dma_wait3A_96 = tpu.memref_squeeze %dma_wait3A_95 : memref<1x128x128xf32, #tpu.memory_space<vmem>> -> memref<128x128xf32, #tpu.memory_space<vmem>>
    tpu.wait_dma2 semaphore(%arg9 : memref<!tpu.dma_semaphore, #tpu.memory_space<semaphore_mem>>) src(%dma_wait3A_96 : memref<128x128xf32, #tpu.memory_space<vmem>>) dst(%dma_wait3A_92 : memref<128x128xf32, #tpu.memory_space<hbm>>)
    %dma_wait3A_97 = arith.constant 1 : i32
    %dma_wait3A_98 = arith.constant 0 : i32
    %dma_wait3A_99 = arith.constant 0 : i32
    %dma_wait3A_100 = tpu.memref_slice %arg6[%dma_wait3A_97, %dma_wait3A_98, %dma_wait3A_99] : memref<2x128x128xf32, #tpu.memory_space<vmem>> -> memref<1x128x128xf32, #tpu.memory_space<vmem>>
    %dma_wait3A_101 = tpu.memref_squeeze %dma_wait3A_100 : memref<1x128x128xf32, #tpu.memory_space<vmem>> -> memref<128x128xf32, #tpu.memory_space<vmem>>
    %dma_wait3A_102 = arith.constant 0 : i32
    %dma_wait3A_103 = tpu.memref_slice %arg4[%mul3A_2, %dma_wait3A_102] : memref<819200x128xf32, #tpu.memory_space<hbm>> -> memref<128x128xf32, #tpu.memory_space<hbm>>
    %dma_wait3A_104 = arith.constant 0 : i32
    %dma_wait3A_105 = tpu.memref_slice %arg4[%mul3A_2, %dma_wait3A_104] : memref<819200x128xf32, #tpu.memory_space<hbm>> -> memref<128x128xf32, #tpu.memory_space<hbm>>
    %dma_wait3A_106 = arith.constant 0 : i32
    %dma_wait3A_107 = arith.constant 0 : i32
    %dma_wait3A_108 = tpu.memref_slice %arg6[%dma_wait3A_97, %dma_wait3A_106, %dma_wait3A_107] : memref<2x128x128xf32, #tpu.memory_space<vmem>> -> memref<1x128x128xf32, #tpu.memory_space<vmem>>
    %dma_wait3A_109 = tpu.memref_squeeze %dma_wait3A_108 : memref<1x128x128xf32, #tpu.memory_space<vmem>> -> memref<128x128xf32, #tpu.memory_space<vmem>>
    tpu.wait_dma2 semaphore(%arg10 : memref<!tpu.dma_semaphore, #tpu.memory_space<semaphore_mem>>) src(%dma_wait3A_109 : memref<128x128xf32, #tpu.memory_space<vmem>>) dst(%dma_wait3A_105 : memref<128x128xf32, #tpu.memory_space<hbm>>)
    return
  }
}

</mosaic_0001>

<sc_bundles>
// kernel: kernel.3.cloned.1.call-start
scs
__scs_entry_jumppad:
0x0: {  	(pc) =	sbr.rel $0x88, $3  }
0x1: {  	(tag) =	ssettag $0x0;
	lr =	simm.s32 $0x1  }
0x2: {  	[smem:$0x3F9F] =	sst lr;
	_ =	strace $0xD0000000  }
0x3: {  	_ = 	snop  }
0x4: {  	_ = 	snop  }
0x5: {  	_ = 	snop  }
0x6: {  	_ = 	snop  }
0x7: {  	_ = 	snop  }
__scs_overlays_trampoline_lowered:
0x8: {  	[smem:$0x3FAE] =	sst s0  }
0x9: {  	[smem:$0x3FAF] =	sst s1  }
0xa: {  	[smem:$0x3FB0] =	sst s2  }
0xb: {  	[smem:$0x3FB1] =	sst s3  }
0xc: {  	[smem:$0x3FB2] =	sst s4  }
0xd: {  	[smem:$0x3FB3] =	sst s5  }
0xe: {  	[smem:$0x3FB4] =	sst s6  }
0xf: {  	[smem:$0x3FB5] =	sst s7  }
0x10: {  	[smem:$0x3FB6] =	sst s8  }
0x11: {  	[smem:$0x3FB7] =	sst s9;
	s0 =	simm.s32 @!p0 $0x0  }
0x12: {  	s1 =	sld [smem:$0x3F9D];
	s0 =	simm.s32 @p0 $0x1  }
0x13: {  	[smem:$0x3FB8] =	sst s0;
	s0 =	simm.s32 @!p1 $0x0  }
0x14: {  	s2 =	sld [smem:$0x3F9C];
	s0 =	simm.s32 @p1 $0x1  }
0x15: {  	[smem:$0x3FB9] =	sst s0;
	s0 =	simm.s32 @!p2 $0x0  }
0x16: {  	s3 =	sld [smem:$0x3FDB];
	s0 =	simm.s32 @p2 $0x1  }
0x17: {  	s4 =	simm.s32 $0x1BF5;
	[smem:$0x3FBB] =	sst s0  }
0x18: {  	s0 =	sld [smem:$0x3F9E];
	_ =	swait.ge [sflag:s4], $0x0  }
0x19: {  	s7 =	sld [smem:$0x3F9F]  }
0x1a: {  	s8 =	sadd.s32 $0xFFFFE003, lr  }
0x1b: {  	s9 =	sadd.s32 $0xFFFFFEF7, lr;
	s5 =	simm.s32 $0xFFFFFFFF;
	p2 =	slt.u32 s8, $0xFFFFF086  }
0x1c: {  	p1 =	slt.u32 s9, $0xF7A;
	s5 =	simm.s32 @!p2 $0x0  }
0x1d: {  	s5 =	simm.s32 @p1 $0x1;
	p0 =	seq.s32 s7, s2  }
0x1e: {  	s7 =	smul.u32 @!p0 $0xF7A, s2;
	p2 =	seq.s32 @!p0 s5, $0x0  }
0x1f: {  	s9 =	smul.u32 $0xF7A, s1;
	s8 =	simm.s32 @!p0 $0x1BF5;
	p2 =	por !p2, p0  }
0x20: {  	[sflag:s8] =	ssyncset.s32 @!p0 $0xFFFFF086;
	s6 =	sadd.s32 @!p0 s3, s7;
	s7 =	simm.s32 @!p0 $0x108  }
0x21: {  	s3 =	sadd.s32 s3, s9;
	s6 =	sadd.s32 @!p0 $0x88, s6;
	s7 =	simm.s32 @p2 $0x1082  }
0x22: {  	[simem:s7], [sflag:s8] =	dma.local @!p0 [hbm:s6], $0xF7A  }
0x23: {  	s9 =	sor.u32 $0xD0000000, s2;
	s6 =	simm.s32 $0x108;
	_ =	swait.ge @!p0 [sflag:s8], $0x0  }
0x24: {  	s3 =	sadd.s32 $0x88, s3;
	s6 =	simm.s32 @!p1 $0x1082;
	[sflag:s4] =	ssyncset.s32 $0xFFFFF086  }
0x25: {  	[simem:s6], [sflag:s4] =	dma.local [hbm:s3], $0xF7A  }
0x26: {  	[smem:$0x3F9F] =	sst s1;
	(tag) =	ssettag s2;
	_ =	strace s9  }
0x27: {  	s1 =	sld [smem:$0x3FAF]  }
0x28: {  	s2 =	sld [smem:$0x3FB0]  }
0x29: {  	s4 =	sld [smem:$0x3FB2]  }
0x2a: {  	p0 =	seq.s32 s5, $0x0;
	s5 =	sld [smem:$0x3FB3]  }
0x2b: {  	s6 =	sld [smem:$0x3FB4]  }
0x2c: {  	s7 =	sld [smem:$0x3FB5]  }
0x2d: {  	s3 =	simm.s32 $0x108;
	s8 =	sld [smem:$0x3FB6]  }
0x2e: {  	s3 =	simm.s32 @!p0 $0x1082;
	s9 =	sld [smem:$0x3FB7]  }
0x2f: {  	lr =	sadd.s32 s0, s3;
	s0 =	sld [smem:$0x3FAE]  }
0x30: {  	s3 =	sld [smem:$0x3FB1]  }
0x31: {  	[smem:$0x3FBA] =	sst s10  }
0x32: {  	s10 =	sld [smem:$0x3FB8];
	_ =	sdelay $0x3  }
0x33: {  	p0 =	seq.s32 s10, $0x1;
	s10 =	sld [smem:$0x3FBA];
	_ =	sdelay $0x3  }
0x34: {  	[smem:$0x3FBA] =	sst s10  }
0x35: {  	s10 =	sld [smem:$0x3FB9];
	_ =	sdelay $0x3  }
0x36: {  	p1 =	seq.s32 s10, $0x1;
	s10 =	sld [smem:$0x3FBA];
	_ =	sdelay $0x3  }
0x37: {  	[smem:$0x3FBA] =	sst s10  }
0x38: {  	s10 =	sld [smem:$0x3FBB]  }
0x39: {  	_ = 	snop;
	(pc) =	sbr.ind lr, $3  }
0x3a: {  	_ = 	snop  }
0x3b: {  	_ = 	snop  }
0x3c: {  	p2 =	seq.s32 s10, $0x1;
	s10 =	sld [smem:$0x3FBA]  }
0x3d: {  	_ =	shalt  }
0x3e: {  	_ =	shalt  }
0x3f: {  	_ =	shalt  }
0x40: {  	_ =	shalt  }
0x41: {  	_ =	shalt  }
0x42: {  	_ =	shalt  }
0x43: {  	_ =	shalt  }
0x44: {  	_ =	shalt  }
0x45: {  	_ =	shalt  }
0x46: {  	_ =	shalt  }
0x47: {  	_ =	shalt  }
0x48: {  	_ =	shalt  }
0x49: {  	_ =	shalt  }
0x4a: {  	_ =	shalt  }
0x4b: {  	_ =	shalt  }
0x4c: {  	_ =	shalt  }
0x4d: {  	_ =	shalt  }
0x4e: {  	_ =	shalt  }
0x4f: {  	_ =	shalt  }
0x50: {  	_ =	shalt  }
0x51: {  	_ =	shalt  }
0x52: {  	_ =	shalt  }
0x53: {  	_ =	shalt  }
0x54: {  	_ =	shalt  }
0x55: {  	_ =	shalt  }
0x56: {  	_ =	shalt  }
0x57: {  	_ =	shalt  }
0x58: {  	_ =	shalt  }
0x59: {  	_ =	shalt  }
0x5a: {  	_ =	shalt  }
0x5b: {  	_ =	shalt  }
0x5c: {  	_ =	shalt  }
0x5d: {  	_ =	shalt  }
0x5e: {  	_ =	shalt  }
0x5f: {  	_ =	shalt  }
0x60: {  	_ =	shalt  }
0x61: {  	_ =	shalt  }
0x62: {  	_ =	shalt  }
0x63: {  	_ =	shalt  }
0x64: {  	_ =	shalt  }
0x65: {  	_ =	shalt  }
0x66: {  	_ =	shalt  }
0x67: {  	_ =	shalt  }
0x68: {  	_ =	shalt  }
0x69: {  	_ =	shalt  }
0x6a: {  	_ =	shalt  }
0x6b: {  	_ =	shalt  }
0x6c: {  	_ =	shalt  }
0x6d: {  	_ =	shalt  }
0x6e: {  	_ =	shalt  }
0x6f: {  	_ =	shalt  }
0x70: {  	_ =	shalt  }
0x71: {  	_ =	shalt  }
0x72: {  	_ =	shalt  }
0x73: {  	_ =	shalt  }
0x74: {  	_ =	shalt  }
0x75: {  	_ =	shalt  }
0x76: {  	_ =	shalt  }
0x77: {  	_ =	shalt  }
0x78: {  	_ =	shalt  }
0x79: {  	_ =	shalt  }
0x7a: {  	_ =	shalt  }
0x7b: {  	_ =	shalt  }
0x7c: {  	_ =	shalt  }
0x7d: {  	_ =	shalt  }
0x7e: {  	_ =	shalt  }
0x7f: {  	_ =	shalt  }
0x80: {  	_ =	shalt  }
0x81: {  	_ =	shalt  }
0x82: {  	_ =	shalt  }
0x83: {  	_ =	shalt  }
0x84: {  	_ =	shalt  }
0x85: {  	_ =	shalt  }
0x86: {  	_ =	shalt  }
0x87: {  	_ =	shalt  }
.Lfunc_end0:
.L_simem_size_0:
called_computation_lowered:
.L_overlay_start_0:
0x88: {  	s2 =	sld [smem:$0x3FD9]  }
0x89: {  	s3 =	sld [smem:$0x3FFE];
	_ =	sdelay $0x1  }
0x8a: {  	s1 =	srdreg.scid  }
0x8b: {  	s0 =	sand.u32 $0x1, s1  }
0x8c: {  	s17 =	sshll.u32 s0, $0xA;
	s2 =	sadd.s32 s3, s2  }
0x8d: {  	s2 =	sadd.s32 s2, s17  }
0x8e: {  	[smem:$0x3FC6] =	sst s2  }
0x8f: {  	_ = 	snop  }
0x90: {  	s2 =	sld [smem:$0x3FC8]  }
0x91: {  	s18 =	sld [smem:$0x3FD0];
	(tm) =	ssettm $0x1  }
0x92: {  	s4 =	sld [smem:$0x3FFB];
	_ =	sdelay $0x3  }
0x93: {  	_ =	strace s4  }
0x94: {  	s4 =	sld [smem:$0x3FFC];
	_ =	sdelay $0x3  }
0x95: {  	_ =	strace s4  }
0x96: {  	s4 =	sld [smem:$0x3FFD];
	_ =	sdelay $0x3  }
0x97: {  	_ =	strace s4  }
0x98: {  	_ =	strace $0x8FFFFFFF  }
0x99: {  	s19 =	sld [smem:$0x3FDB];
	_ =	sdelay $0x1  }
0x9a: {  	s5 =	simm.s32 $_scs_section_size  }
0x9b: {  	s6 =	simm.s32 $_size__tile_overlayer_lowered;
	s7 =	simm.s32 $_tile_overlayer_lowered  }
0x9c: {  	s22 =	simm.s32 $0x1BFF;
	s21 =	sshll.u32 s7, $0x1;
	s4 =	sadd.s32 s5, s19  }
0x9d: {  	s8 =	simm.s32 $0x0;
	s20 =	sshll.u32 s6, $0x1;
	s6 =	sadd.s32 s21, s4  }
0x9e: {  	[timem:s8], [sflag:s22] =	dma.local [hbm:s6], s20  }
0x9f: {  	_ =	swait.ge [sflag:s22], s20  }
0xa0: {  	s5 =	ssub.s32 $0x0, s20;
	[sflag:s22] =	ssyncset.done $0x0  }
0xa1: {  	[sflag:s22] =	ssyncadd.s32 s5;
	_ =	sdelay $0x1  }
0xa2: {  	s23 =	simm.s32 $0x1B8B  }
0xa3: {  	_ =	swait.ge [sflag:s23], $0x1  }
0xa4: {  	[sflag:s23] =	ssyncset.done $0x0  }
0xa5: {  	s25 =	simm.s32 $0x1B8E;
	s24 =	sld [smem:$0x3FFE];
	[sflag:s23] =	ssyncadd.s32 $0xFFFFFFFF  }
0xa6: {  	s26 =	simm.s32 $execute0_lowered;
	[smem:$0x3FD2] =	sst s25  }
0xa7: {  	s6 =	sshll.u32 s26, $0x1;
	_ =	strace $0x80000046;
	[dreg:$0x1] =	wrdreg $0xFFFFFFFF  }
0xa8: {  	s28 =	simm.s32 $_size_execute0_lowered;
	s4 =	sadd.s32 s4, s6;
	[dreg:$0x0] =	wrdreg $0x0  }
0xa9: {  	s6 =	sshll.u32 s28, $0x1;
	[dreg:$0x2] =	wrdreg s4  }
0xaa: {  	[dreg:$0x3] =	wrdreg s6  }
0xab: {  	[dreg:$0x4] =	wrdreg $0xC0  }
0xac: {  	_ =	task [dreg:s8], $0x5FFFF  }
0xad: {  	[dreg:$0x1] =	wrdreg $0xFFFFFFFF  }
0xae: {  	[dreg:$0x0] =	wrdreg $0x60  }
0xaf: {  	[dreg:$0x2] =	wrdreg s2  }
0xb0: {  	[dreg:$0x3] =	wrdreg s24  }
0xb1: {  	[dreg:$0x4] =	wrdreg s18  }
0xb2: {  	[dreg:$0x5] =	wrdreg $0x9  }
0xb3: {  	_ =	task.clear_ibuf [dreg:s8], $0x6FFFF;
	_ =	strace $0x90000046  }
0xb4: {  	s29 =	simm.s32 $0x9;
	_ =	strace $0x80000048  }
0xb5: {  	_ =	swait.ge [sflag:s29], $0x1  }
0xb6: {  	[sflag:s29] =	ssyncadd.s32 $0xFFFFFFFF  }
0xb7: {  	_ =	strace $0x90000048  }
0xb8: {  	_ =	sfence  }
0xb9: {  	s30 =	sld [smem:$0x0];
	_ =	sdelay $0x2  }
0xba: {  	s31 =	sshll.u32 s1, $0xD;
	s1 =	sshrl.u32 s1, $0x2  }
0xbb: {  	s3 =	sand.u32 $0x4000, s31;
	s1 =	sadd.s32 s1, s30  }
0xbc: {  	s0 =	sor.u32 s3, s0;
	s1 =	sshll.u32 s1, $0x11  }
0xbd: {  	s0 =	sor.u32 s1, s0  }
0xbe: {  	s0 =	sadd.s32 $0x8F2B, s0  }
0xbf: {  	[sflag:s0] =	ssyncadd.remote.s32 $0x1  }
0xc0: {  	_ =	sfence.sel $0xFFFF  }
0xc1: {  	[dreg:$0x0] =	wrdreg $0xFFFFFFFF;
	(pc) =	sbr.abs _section_cstart, $3  }
0xc2: {  	[dreg:$0x1] =	wrdreg $0xFFFFFFFF  }
0xc3: {  	_ =	task.clear_ibuf [dreg:s8], $0x2FFFF;
	_ =	strace $0x9FFFFFFF  }
0xc4: {  	(tm) =	ssettm $0x7FFFFFFF  }
0xc5: {  	_ =	shalt  }
tec
execute0_lowered:
.L_overlay_start_1:
0x0: {  	(tag) =	ssettag $0x1  }
0x1: {  	s1 =	rddreg [dreg:$0x0]  }
0x2: {  	s2 =	srdreg.scid;
	s4 =	rddreg [dreg:$0x1]  }
0x3: {  	s0 =	stileid.u32;
	s8 =	rddreg [dreg:$0x2];
	s3 =	simm.s32 $0x0  }
0x4: {  	s13 =	simm.s32 $0xA400;
	s14 =	simm.s32 $0x1;
	s12 =	smul.u32 $0x640000, s0  }
0x5: {  	s15 =	simm.s32 $0x3;
	s6 =	sand.u32 $0x1, s2;
	s29 =	smul.u32 $0xC8000, s0  }
0x6: {  	s16 =	simm.s32 $0x2;
	s24 =	sshll.u32 s0, $0x1;
	s28 =	smul.u32 $0x320000, s6  }
0x7: {  	s17 =	simm.s32 $0x4;
	s5 =	sor.u32 s6, s24;
	s30 =	smul.u32 $0x64000, s6  }
0x8: {  	s18 =	simm.s32 $0x0;
	s2 =	rddreg [dreg:$0x3];
	s7 =	smul.u32 $0xC80, s5  }
0x9: {  	[smem:$0x7FF] =	sst s3;
	s10 =	ssub.s32 $0x2, s6;
	s9 =	smul.u32 $0x64000, s5  }
0xa: {  	_ =	strace $0x80000047;
	s11 =	smul.u32 $0x320000, s5;
	s25 =	sshrl.u32 s10, $0x1  }
0xb: {  	s26 =	ssub.s32 s10, s25;
	s10 =	sadd.s32 s28, s12;
	s12 =	simm.s32 $0x6400  }
0xc: {  	s4 =	sadd.s32 s7, s4;
	s5 =	sadd.s32 s8, s9;
	s11 =	sshrl.u32 s11, $0x3  }
0xd: {  	s10 =	sor.u32 $0x8000, s10;
	s9 =	sadd.s32 s29, s8;
	s7 =	smax.u32 s26, $0x1  }
0xe: {  	s4 =	sadd.s32 $0x400, s4;
	s31 =	sadd.s32 s8, s11;
	s10 =	sshrl.u32 s10, $0x3  }
0xf: {  	s9 =	sadd.s32 s30, s9;
	s11 =	simm.s32 $0x80;
	s6 =	sadd.s32 $0x63800, s31  }
0x10: {  	s8 =	sadd.s32 s10, s8;
	s9 =	sadd.s32 $0x800, s9;
	s10 =	simm.s32 $0x5  }
.LBB2_1:
0x11: {  	[tilespmem:s3], [sflag:$0x5] =	stream.linear.gather [hbm4b:s4+s3], $0x6400, $0x38;
	[tilespmem:$0xE400] =	vst v63  }
0x12: {  	_ =	swait.ge [sflag:s10], $0x6400  }
0x13: {  	[sflag:s10] =	ssyncset.done $0x0  }
0x14: {  	[sflag:s10] =	ssyncadd.s32 $0xFFFF9C00  }
0x15: {  	[tilespmem:s12], [sflag:$0x1] =	stream.indirect.gather [hbm4b:s1+s11], $0x80, s3, s11, $0xb8;
	[tilespmem:$0xE400] =	vst v63  }
0x16: {  	_ = 	snop  }
0x17: {  	[tilespmem:s13], [sflag:$0x2] =	stream.indirect.gather [hbm4b:s1+s11], $0x80, s11, s11, $0xb8;
	[tilespmem:$0xE400] =	vst v63  }
0x18: {  	_ =	swait.ge [sflag:s14], $0x4000  }
0x19: {  	[sflag:s14] =	ssyncset.done $0x0  }
0x1a: {  	[sflag:s14] =	ssyncadd.s32 $0xFFFFC000  }
0x1b: {  	[hbm4b:s5+s3] =	stream.linear.scatter [tilespmem:s12], [sflag:$0x3], $0x4000, $0x38;
	[tilespmem:$0xE400] =	vst v63  }
0x1c: {  	_ =	swait.ge [sflag:s15], $0x4000  }
0x1d: {  	[sflag:s15] =	ssyncset.done $0x0  }
0x1e: {  	s19 =	simm.s32 $0x100;
	[sflag:s15] =	ssyncadd.s32 $0xFFFFC000  }
0x1f: {  	[tilespmem:s12], [sflag:$0x1] =	stream.indirect.gather [hbm4b:s1+s11], $0x80, s19, s11, $0xb8;
	[tilespmem:$0xE400] =	vst v63  }
0x20: {  	_ =	swait.ge [sflag:s16], $0x4000  }
0x21: {  	[sflag:s16] =	ssyncset.done $0x0  }
0x22: {  	s30 =	sadd.s32 $0x0, s9;
	[sflag:s16] =	ssyncadd.s32 $0xFFFFC000  }
0x23: {  	[hbm4b:s30+s3] =	stream.linear.scatter [tilespmem:s13], [sflag:$0x4], $0x4000, $0x38;
	[tilespmem:$0xE400] =	vst v63  }
0x24: {  	_ =	swait.ge [sflag:s17], $0x4000  }
0x25: {  	[sflag:s17] =	ssyncset.done $0x0  }
0x26: {  	s31 =	simm.s32 $0x180;
	[sflag:s17] =	ssyncadd.s32 $0xFFFFC000  }
0x27: {  	[tilespmem:s13], [sflag:$0x2] =	stream.indirect.gather [hbm4b:s1+s11], $0x80, s31, s11, $0xb8;
	[tilespmem:$0xE400] =	vst v63  }
0x28: {  	_ =	swait.ge [sflag:s14], $0x4000  }
0x29: {  	s21 =	sadd.s32 $0x0, s8;
	[sflag:s14] =	ssyncset.done $0x0  }
0x2a: {  	s20 =	simm.s32 $0x280;
	s19 =	simm.s32 $0x1000;
	[sflag:s14] =	ssyncadd.s32 $0xFFFFC000  }
.LBB2_2:
0x2b: {  	[hbm4b:s21+s3] =	stream.linear.scatter [tilespmem:s12], [sflag:$0x3], $0x4000, $0x38;
	[tilespmem:$0xE400] =	vst v63  }
0x2c: {  	s21 =	smov.u32 s19  }
0x2d: {  	p0 =	sne.s32 s19, $0x62000;
	s19 =	sadd.s32 $0x1000, s19;
	_ =	swait.ge [sflag:s15], $0x4000  }
0x2e: {  	[sflag:s15] =	ssyncset.done $0x0  }
0x2f: {  	s22 =	sadd.s32 $0xFFFFFF80, s20;
	[sflag:s15] =	ssyncadd.s32 $0xFFFFC000  }
0x30: {  	[tilespmem:s12], [sflag:$0x1] =	stream.indirect.gather [hbm4b:s1+s11], $0x80, s22, s11, $0xb8;
	[tilespmem:$0xE400] =	vst v63  }
0x31: {  	_ =	swait.ge [sflag:s16], $0x4000  }
0x32: {  	[sflag:s16] =	ssyncset.done $0x0  }
0x33: {  	s22 =	sadd.s32 s21, s9;
	[sflag:s16] =	ssyncadd.s32 $0xFFFFC000  }
0x34: {  	[hbm4b:s22+s3] =	stream.linear.scatter [tilespmem:s13], [sflag:$0x4], $0x4000, $0x38;
	[tilespmem:$0xE400] =	vst v63  }
0x35: {  	_ =	swait.ge [sflag:s17], $0x4000  }
0x36: {  	[sflag:s17] =	ssyncset.done $0x0  }
.Ltmp0:
0x37: {  	[sflag:s17] =	ssyncadd.s32 $0xFFFFC000;
	(pc) =	sbr.rel @p0 .LBB2_2-.Ltmp0, $4  }
0x38: {  	[tilespmem:s13], [sflag:$0x2] =	stream.indirect.gather [hbm4b:s1+s11], $0x80, s20, s11, $0xb8;
	[tilespmem:$0xE400] =	vst v63  }
0x39: {  	_ =	swait.ge [sflag:s14], $0x4000  }
0x3a: {  	[sflag:s14] =	ssyncset.done $0x0  }
0x3b: {  	s21 =	sadd.s32 s21, s8;
	s20 =	sadd.s32 $0x100, s20;
	[sflag:s14] =	ssyncadd.s32 $0xFFFFC000  }
0x3c: {  	[hbm4b:s21+s3] =	stream.linear.scatter [tilespmem:s12], [sflag:$0x3], $0x4000, $0x38;
	[tilespmem:$0xE400] =	vst v63  }
0x3d: {  	_ =	swait.ge [sflag:s16], $0x4000  }
0x3e: {  	[sflag:s16] =	ssyncset.done $0x0  }
0x3f: {  	s18 =	sadd.s32 $0x1, s18;
	[sflag:s16] =	ssyncadd.s32 $0xFFFFC000  }
0x40: {  	[hbm4b:s6+s3] =	stream.linear.scatter [tilespmem:s13], [sflag:$0x4], $0x4000, $0x38;
	[tilespmem:$0xE400] =	vst v63  }
0x41: {  	p0 =	sne.s32 s18, s7;
	_ =	swait.ge [sflag:s15], $0x4000  }
.Ltmp1:
0x42: {  	[sflag:s15] =	ssyncset.done $0x0;
	(pc) =	sbr.rel @p0 .LBB2_1-.Ltmp1, $4  }
0x43: {  	[sflag:s15] =	ssyncadd.s32 $0xFFFFC000  }
0x44: {  	_ =	swait.ge [sflag:s17], $0x4000  }
0x45: {  	[sflag:s17] =	ssyncset.done $0x0  }
0x46: {  	[sflag:s17] =	ssyncadd.s32 $0xFFFFC000  }
0x47: {  	_ =	sfence.sel $0x180000  }
0x48: {  	[bflag:$0x0] =	sbarrier.arrive $0xFFFF  }
0x49: {  	p0 =	sne.s32 s0, $0x0;
	_ =	strace $0x90000047  }
0x4a: {  	s0 =	sadd.s32 @!p0 $0x100000, s2;
	[bflag:$0x2] =	sbarrier.arrive $0xFFFF  }
0x4b: {  	[sflag:s0] =	ssyncadd.tile.s32 @!p0 $0x1;
	_ =	shalt  }
.Lfunc_end2:
_tile_overlayer_lowered:
.L_overlay_start_2:
0x4c: {  	(tag) =	ssettag $0x2  }
0x4d: {  	s0 =	rddreg [dreg:$0x0];
	s2 =	stileid.u32  }
0x4e: {  	s1 =	rddreg [dreg:$0x1];
	p0 =	sne.s32 s2, $0x0  }
0x4f: {  	s3 =	rddreg [dreg:$0x2];
	[bflag:$0x3] =	sbarrier.arrive $0xFFFF;
	s2 =	simm.s32 @!p0 $0x1C05  }
0x50: {  	[timem:s3], [sflag:s2] =	dma.local @!p0 [hbm:s0], s1  }
0x51: {  	s0 =	simm.s32 @!p0 $0x5  }
0x52: {  	_ =	swait.ge @!p0 [sflag:s0], s1  }
0x53: {  	s1 =	ssub.s32 @!p0 $0x0, s1;
	[sflag:s0] =	ssyncset.done @!p0 $0x0  }
0x54: {  	[sflag:s0] =	ssyncadd.s32 @!p0 s1  }
0x55: {  	[bflag:$0x3] =	sbarrier.arrive $0xFFFF  }
0x56: {  	_ =	shalt  }

</sc_bundles>
